<compile_context>
chip_gen: v7x
topology: tpu7x:2x2x1
jax: 0.10.2.dev20260603
libtpu: 0.0.44.dev20260713+nightly
codegen_flags: <defaults>
</compile_context>

<pallas_src>
import functools

import jax
import jax.numpy as jnp
from jax import lax
from jax.experimental import pallas as pl
from jax.experimental.pallas import tpu as pltpu
from jax.experimental.pallas import tpu_sc as plsc




def _expand_body(embt_ref, out_ref, *, D, C):
    x = embt_ref[...]
    xt = jnp.transpose(x, (1, 0))
    out_ref[...] = jnp.concatenate(
        [xt, jnp.zeros((C, 128 - D), jnp.float32)], axis=1
    )


def _expand_call(embt, *, C=16384):
    D, V = embt.shape
    return pl.pallas_call(
        functools.partial(_expand_body, D=D, C=C),
        grid=(pl.cdiv(V, C),),
        in_specs=[pl.BlockSpec((D, C), lambda i: (0, i))],
        out_specs=pl.BlockSpec((C, 128), lambda i: (i, 0)),
        out_shape=jax.ShapeDtypeStruct((V, 128), jnp.float32),
        compiler_params=pltpu.CompilerParams(
            dimension_semantics=("arbitrary",),
        ),
    )(embt)




@functools.lru_cache(maxsize=None)
def _make_sc_gather(V, B, T):
    info = plsc.get_sparse_core_info()
    NC, NS = info.num_cores, info.num_subcores
    NW = NC * NS
    BB = B // NW
    assert BB == 128
    mesh = plsc.VectorSubcoreMesh(core_axis_name="c", subcore_axis_name="s")

    @functools.partial(
        pl.kernel,
        mesh=mesh,
        out_type=jax.ShapeDtypeStruct((T, B, 128), jnp.float32),
        scratch_types=[
            pltpu.VMEM((T, BB), jnp.int32),
            pltpu.VMEM((2, BB, 128), jnp.float32),
            pltpu.SemaphoreType.DMA,
            pltpu.SemaphoreType.DMA,
        ],
        compiler_params=pltpu.CompilerParams(use_tc_tiling_on_sc=False),
    )
    def gather_k(embp_hbm, idxt_hbm, out_hbm, idx_v, rows_v, sem0, sem1):
        wid = lax.axis_index("s") * NC + lax.axis_index("c")
        b0 = wid * BB
        pltpu.sync_copy(idxt_hbm.at[:, pl.ds(b0, BB)], idx_v)

        def fire(t, buf, sem):
            pltpu.async_copy(embp_hbm.at[idx_v.at[t]], rows_v.at[buf], sem)

        def drain(t, buf, sem):
            pltpu.make_async_copy(
                embp_hbm.at[idx_v.at[t]], rows_v.at[buf], sem
            ).wait()
            pltpu.sync_copy(rows_v.at[buf], out_hbm.at[t, pl.ds(b0, BB)])

        fire(0, 0, sem0)

        def body(i, carry):
            t = 2 * i
            fire(t + 1, 1, sem1)
            drain(t, 0, sem0)
            fire(t + 2, 0, sem0)
            drain(t + 1, 1, sem1)
            return carry

        lax.fori_loop(0, T // 2 - 1, body, 0)
        t = T - 2
        fire(t + 1, 1, sem1)
        drain(t, 0, sem0)
        drain(t + 1, 1, sem1)

    return gather_k




def _lstm_body(x_ref, wih_ref, whh_ref, b_ref, wfc_ref, bfc_ref, out_ref,
               h_ref, c_ref, *, H, T, D):
    t = pl.program_id(1)

    @pl.when(t == 0)
    def _():
        h_ref[...] = jnp.zeros_like(h_ref)
        c_ref[...] = jnp.zeros_like(c_ref)

    x = x_ref[0][:, 0:D]
    h = h_ref[...]
    g = (
        jnp.dot(x, wih_ref[...], preferred_element_type=jnp.float32)
        + jnp.dot(h, whh_ref[...], preferred_element_type=jnp.float32)
        + b_ref[...]
    )
    i_g = jax.nn.sigmoid(g[:, 0 * H:1 * H])
    f_g = jax.nn.sigmoid(g[:, 1 * H:2 * H])
    g_g = jnp.tanh(g[:, 2 * H:3 * H])
    o_g = jax.nn.sigmoid(g[:, 3 * H:4 * H])
    c_new = f_g * c_ref[...] + i_g * g_g
    h_new = o_g * jnp.tanh(c_new)
    c_ref[...] = c_new
    h_ref[...] = h_new

    @pl.when(t == T - 1)
    def _():
        logits = (
            jnp.dot(h_new, wfc_ref[...], preferred_element_type=jnp.float32)
            + bfc_ref[...]
        )
        m = jnp.max(logits, axis=-1, keepdims=True)
        s = logits - m
        lse = jnp.log(jnp.sum(jnp.exp(s), axis=-1, keepdims=True))
        out_ref[...] = s - lse


def _lstm_call(x, wih, whh, b1, wfc, bfc1, *, bt=4096):
    T, B, _ = x.shape
    D = wih.shape[0]
    H = whh.shape[0]
    A = wfc.shape[1]
    grid = (B // bt, T)
    return pl.pallas_call(
        functools.partial(_lstm_body, H=H, T=T, D=D),
        grid=grid,
        in_specs=[
            pl.BlockSpec((1, bt, 128), lambda b, t: (t, b, 0)),
            pl.BlockSpec((D, 4 * H), lambda b, t: (0, 0)),
            pl.BlockSpec((H, 4 * H), lambda b, t: (0, 0)),
            pl.BlockSpec((1, 4 * H), lambda b, t: (0, 0)),
            pl.BlockSpec((H, A), lambda b, t: (0, 0)),
            pl.BlockSpec((1, A), lambda b, t: (0, 0)),
        ],
        out_specs=pl.BlockSpec((bt, A), lambda b, t: (b, 0)),
        out_shape=jax.ShapeDtypeStruct((B, A), jnp.float32),
        scratch_shapes=[
            pltpu.VMEM((bt, H), jnp.float32),
            pltpu.VMEM((bt, H), jnp.float32),
        ],
        compiler_params=pltpu.CompilerParams(
            dimension_semantics=("parallel", "arbitrary"),
        ),
    )(x, wih, whh, b1, wfc, bfc1)


def kernel(dct_in, emb, W_ih, W_hh, b_ih, b_hh, W_fc, b_fc):
    B, T = dct_in.shape
    V, D = emb.shape
    H = W_hh.shape[1]
    A = W_fc.shape[0]

    embp = _expand_call(emb.T)
    idxt = dct_in.T.astype(jnp.int32)
    x3 = _make_sc_gather(V, B, T)(embp, idxt)

    b1 = (b_ih + b_hh).reshape(1, 4 * H)
    bfc1 = b_fc.reshape(1, A)
    return _lstm_call(x3, W_ih.T, W_hh.T, b1, W_fc.T, bfc1)

# --- scband reference (transcript-rebuilt; emitter-appended) ---
"""Pipeline reference for scband-dctclassifier-17806934409441 (READ-ONLY COPY).

The authoritative reference and input builder live on the scoring server;
editing this copy changes nothing except your own understanding.
"""

import jax, jax.numpy as jnp
import numpy as np

V = 1000000
D = 64
H = 128
A = 6
B = 4096
T = 50


def setup_inputs(seed: int = 0) -> dict:
    key = jax.random.key(seed)
    ks = jax.random.split(key, 6)
    dct_in = jax.random.randint(ks[0], (B, T), 0, V, dtype=jnp.int64 if jax.config.jax_enable_x64 else jnp.int32)
    emb = jax.random.normal(ks[1], (V, D), dtype=jnp.float32) * 0.02
    W_ih = jax.random.normal(ks[2], (4 * H, D), dtype=jnp.float32) * 0.05
    W_hh = jax.random.normal(ks[3], (4 * H, H), dtype=jnp.float32) * 0.05
    b_ih = jnp.zeros((4 * H,), dtype=jnp.float32)
    b_hh = jnp.zeros((4 * H,), dtype=jnp.float32)
    W_fc = jax.random.normal(ks[4], (A, H), dtype=jnp.float32) * 0.05
    b_fc = jnp.zeros((A,), dtype=jnp.float32)
    return {"dct_in": dct_in, "emb": emb, "W_ih": W_ih, "W_hh": W_hh, "b_ih": b_ih, "b_hh": b_hh, "W_fc": W_fc, "b_fc": b_fc}


def reference(dct_in, emb, W_ih, W_hh, b_ih, b_hh, W_fc, b_fc):
    # word_embeddings lookup (SparseCore gather)
    x = jnp.take(emb, dct_in, axis=0)  # [B, T, D]
    bsz = dct_in.shape[0]

    def step(carry, xt):
        h, c = carry
        gates = xt @ W_ih.T + h @ W_hh.T + b_ih + b_hh
        i, f, g, o = jnp.split(gates, 4, axis=-1)
        i = jax.nn.sigmoid(i)
        f = jax.nn.sigmoid(f)
        g = jnp.tanh(g)
        o = jax.nn.sigmoid(o)
        c = f * c + i * g
        h = o * jnp.tanh(c)
        return (h, c), None

    h0 = jnp.zeros((bsz, H), dtype=x.dtype)
    c0 = jnp.zeros((bsz, H), dtype=x.dtype)
    xs = jnp.swapaxes(x, 0, 1)  # [T, B, D]
    (h_final, c_final), _ = jax.lax.scan(step, (h0, c0), xs)
    logits = h_final @ W_fc.T + b_fc  # [B, A]
    return jax.nn.log_softmax(logits, axis=-1)

if __name__ == "__main__":
    import jax
    _d = setup_inputs()
    print(jax.jit(kernel)(*tuple(_d.values())))

</pallas_src>

<mosaic_0001>
#map = affine_map<(d0, d1) -> (0, 0)>
#map1 = affine_map<(d0, d1) -> (0, 0, 0)>
module attributes {stable_mosaic.version = 14 : i64} {
  func.func @gather_k(%arg0: i32, %arg1: i32, %arg2: memref<1000000x128xf32, #tpu.memory_space<hbm>>, %arg3: memref<50x4096xi32, #tpu.memory_space<hbm>>, %arg4: memref<50x4096x128xf32, #tpu.memory_space<hbm>>, %arg5: memref<50x128xi32, #tpu.memory_space<vmem>>, %arg6: memref<2x128x128xf32, #tpu.memory_space<vmem>>, %arg7: memref<!tpu.dma_semaphore, #tpu.memory_space<semaphore_mem>>, %arg8: memref<!tpu.dma_semaphore, #tpu.memory_space<semaphore_mem>>) attributes {dimension_semantics = [#tpu.dimension_semantics<core_parallel>, #tpu.dimension_semantics<subcore_parallel>], iteration_bounds = array<i64: 2, 16>, scalar_prefetch = 0 : i64, scratch_operands = 4 : i64, tpu.core_type = #tpu.core_type<sc_vector_subcore>, window_params = [{transform_indices = #map}, {transform_indices = #map}, {transform_indices = #map1}]} {
    %mul3A = arith.constant 2 : i32
    %mul3A_0 = arith.muli %arg1, %mul3A : i32
    %add3A = arith.addi %mul3A_0, %arg0 : i32
    %mul3A_1 = arith.constant 128 : i32
    %mul3A_2 = arith.muli %add3A, %mul3A_1 : i32
    "tpu.region"() ({
      %run_scoped3A_57 = tpu.sem_alloc : memref<!tpu.dma_semaphore, #tpu.memory_space<semaphore_mem>>
      %dma_start3A_58 = arith.constant 0 : i32
      %dma_start3A_59 = tpu.memref_slice %arg3[%dma_start3A_58, %mul3A_2] : memref<50x4096xi32, #tpu.memory_space<hbm>> -> memref<50x128xi32, #tpu.memory_space<hbm>>
      %dma_start3A_60 = arith.constant 0 : i32
      %dma_start3A_61 = tpu.memref_slice %arg3[%dma_start3A_60, %mul3A_2] : memref<50x4096xi32, #tpu.memory_space<hbm>> -> memref<50x128xi32, #tpu.memory_space<hbm>>
      tpu.enqueue_dma source(%dma_start3A_61 : memref<50x128xi32, #tpu.memory_space<hbm>>) target(%arg5 : memref<50x128xi32, #tpu.memory_space<vmem>>) target_semaphore(%run_scoped3A_57 : memref<!tpu.dma_semaphore, #tpu.memory_space<semaphore_mem>>)
      %dma_wait3A_62 = arith.constant 0 : i32
      %dma_wait3A_63 = tpu.memref_slice %arg3[%dma_wait3A_62, %mul3A_2] : memref<50x4096xi32, #tpu.memory_space<hbm>> -> memref<50x128xi32, #tpu.memory_space<hbm>>
      %dma_wait3A_64 = arith.constant 0 : i32
      %dma_wait3A_65 = tpu.memref_slice %arg3[%dma_wait3A_64, %mul3A_2] : memref<50x4096xi32, #tpu.memory_space<hbm>> -> memref<50x128xi32, #tpu.memory_space<hbm>>
      tpu.wait_dma2 semaphore(%run_scoped3A_57 : memref<!tpu.dma_semaphore, #tpu.memory_space<semaphore_mem>>) src(%dma_wait3A_65 : memref<50x128xi32, #tpu.memory_space<hbm>>) dst(%arg5 : memref<50x128xi32, #tpu.memory_space<vmem>>)
      tpu.yield
    }) : () -> ()
    %dma_start3A = arith.constant 0 : i32
    %dma_start3A_3 = arith.constant 0 : i32
    %dma_start3A_4 = arith.constant 0 : i32
    %dma_start3A_5 = arith.constant 0 : i32
    %dma_start3A_6 = tpu.memref_slice %arg6[%dma_start3A_3, %dma_start3A_4, %dma_start3A_5] : memref<2x128x128xf32, #tpu.memory_space<vmem>> -> memref<1x128x128xf32, #tpu.memory_space<vmem>>
    %dma_start3A_7 = tpu.memref_squeeze %dma_start3A_6 : memref<1x128x128xf32, #tpu.memory_space<vmem>> -> memref<128x128xf32, #tpu.memory_space<vmem>>
    %dma_start3A_8 = arith.constant 0 : i32
    %dma_start3A_9 = tpu.memref_slice %arg5[%dma_start3A, %dma_start3A_8] : memref<50x128xi32, #tpu.memory_space<vmem>> -> memref<1x128xi32, #tpu.memory_space<vmem>>
    %dma_start3A_10 = tpu.memref_squeeze %dma_start3A_9 : memref<1x128xi32, #tpu.memory_space<vmem>> -> memref<128xi32, #tpu.memory_space<vmem>>
    %dma_start3A_11 = arith.constant 0 : i32
    %dma_start3A_12 = arith.constant 0 : i32
    %dma_start3A_13 = tpu.memref_slice %arg2[%dma_start3A_11, %dma_start3A_12] : memref<1000000x128xf32, #tpu.memory_space<hbm>> -> memref<1000000x128xf32, #tpu.memory_space<hbm>>
    tpu.enqueue_indirect_dma source(%dma_start3A_13 : memref<1000000x128xf32, #tpu.memory_space<hbm>>) target(%dma_start3A_7 : memref<128x128xf32, #tpu.memory_space<vmem>>) offsets(%dma_start3A_10 : memref<128xi32, #tpu.memory_space<vmem>>) semaphore(%arg7 : memref<!tpu.dma_semaphore, #tpu.memory_space<semaphore_mem>>)
    %scan3A = arith.constant 0 : i32
    %scan3A_14 = arith.constant 0 : i32
    %scan3A_15 = arith.constant 24 : i32
    %scan3A_16 = arith.addi %scan3A_14, %scan3A_15 : i32
    %scan3A_17 = arith.constant 1 : i32
    scf.for %scan3A_57 = %scan3A_14 to %scan3A_16 step %scan3A_17  : i32 {
      %mul3A_58 = arith.constant 2 : i32
      %mul3A_59 = arith.muli %mul3A_58, %scan3A_57 : i32
      %add3A_60 = arith.constant 1 : i32
      %add3A_61 = arith.addi %mul3A_59, %add3A_60 : i32
      %dma_start3A_62 = arith.constant 1 : i32
      %dma_start3A_63 = arith.constant 0 : i32
      %dma_start3A_64 = arith.constant 0 : i32
      %dma_start3A_65 = tpu.memref_slice %arg6[%dma_start3A_62, %dma_start3A_63, %dma_start3A_64] : memref<2x128x128xf32, #tpu.memory_space<vmem>> -> memref<1x128x128xf32, #tpu.memory_space<vmem>>
      %dma_start3A_66 = tpu.memref_squeeze %dma_start3A_65 : memref<1x128x128xf32, #tpu.memory_space<vmem>> -> memref<128x128xf32, #tpu.memory_space<vmem>>
      %dma_start3A_67 = arith.constant 0 : i32
      %dma_start3A_68 = tpu.memref_slice %arg5[%add3A_61, %dma_start3A_67] : memref<50x128xi32, #tpu.memory_space<vmem>> -> memref<1x128xi32, #tpu.memory_space<vmem>>
      %dma_start3A_69 = tpu.memref_squeeze %dma_start3A_68 : memref<1x128xi32, #tpu.memory_space<vmem>> -> memref<128xi32, #tpu.memory_space<vmem>>
      %dma_start3A_70 = arith.constant 0 : i32
      %dma_start3A_71 = arith.constant 0 : i32
      %dma_start3A_72 = tpu.memref_slice %arg2[%dma_start3A_70, %dma_start3A_71] : memref<1000000x128xf32, #tpu.memory_space<hbm>> -> memref<1000000x128xf32, #tpu.memory_space<hbm>>
      tpu.enqueue_indirect_dma source(%dma_start3A_72 : memref<1000000x128xf32, #tpu.memory_space<hbm>>) target(%dma_start3A_66 : memref<128x128xf32, #tpu.memory_space<vmem>>) offsets(%dma_start3A_69 : memref<128xi32, #tpu.memory_space<vmem>>) semaphore(%arg8 : memref<!tpu.dma_semaphore, #tpu.memory_space<semaphore_mem>>)
      %dma_wait3A_73 = arith.constant 0 : i32
      %dma_wait3A_74 = arith.constant 0 : i32
      %dma_wait3A_75 = arith.constant 0 : i32
      %dma_wait3A_76 = tpu.memref_slice %arg6[%dma_wait3A_73, %dma_wait3A_74, %dma_wait3A_75] : memref<2x128x128xf32, #tpu.memory_space<vmem>> -> memref<1x128x128xf32, #tpu.memory_space<vmem>>
      %dma_wait3A_77 = tpu.memref_squeeze %dma_wait3A_76 : memref<1x128x128xf32, #tpu.memory_space<vmem>> -> memref<128x128xf32, #tpu.memory_space<vmem>>
      %dma_wait3A_78 = arith.constant 0 : i32
      %dma_wait3A_79 = tpu.memref_slice %arg5[%mul3A_59, %dma_wait3A_78] : memref<50x128xi32, #tpu.memory_space<vmem>> -> memref<1x128xi32, #tpu.memory_space<vmem>>
      %dma_wait3A_80 = tpu.memref_squeeze %dma_wait3A_79 : memref<1x128xi32, #tpu.memory_space<vmem>> -> memref<128xi32, #tpu.memory_space<vmem>>
      %dma_wait3A_81 = arith.constant 0 : i32
      %dma_wait3A_82 = arith.constant 0 : i32
      %dma_wait3A_83 = tpu.memref_slice %arg2[%dma_wait3A_81, %dma_wait3A_82] : memref<1000000x128xf32, #tpu.memory_space<hbm>> -> memref<1000000x128xf32, #tpu.memory_space<hbm>>
      tpu.wait_indirect_dma semaphore(%arg7 : memref<!tpu.dma_semaphore, #tpu.memory_space<semaphore_mem>>) src(%dma_wait3A_83 : memref<1000000x128xf32, #tpu.memory_space<hbm>>) dst(%dma_wait3A_77 : memref<128x128xf32, #tpu.memory_space<vmem>>)
      %run_scoped3A_84 = arith.constant 0 : i32
      "tpu.region"() ({
        %run_scoped3A_112 = tpu.sem_alloc : memref<!tpu.dma_semaphore, #tpu.memory_space<semaphore_mem>>
        %dma_start3A_113 = arith.constant 0 : i32
        %dma_start3A_114 = arith.constant 0 : i32
        %dma_start3A_115 = tpu.memref_slice %arg6[%run_scoped3A_84, %dma_start3A_113, %dma_start3A_114] : memref<2x128x128xf32, #tpu.memory_space<vmem>> -> memref<1x128x128xf32, #tpu.memory_space<vmem>>
        %dma_start3A_116 = tpu.memref_squeeze %dma_start3A_115 : memref<1x128x128xf32, #tpu.memory_space<vmem>> -> memref<128x128xf32, #tpu.memory_space<vmem>>
        %dma_start3A_117 = arith.constant 0 : i32
        %dma_start3A_118 = tpu.memref_slice %arg4[%mul3A_59, %mul3A_2, %dma_start3A_117] : memref<50x4096x128xf32, #tpu.memory_space<hbm>> -> memref<1x128x128xf32, #tpu.memory_space<hbm>>
        %dma_start3A_119 = tpu.memref_squeeze %dma_start3A_118 : memref<1x128x128xf32, #tpu.memory_space<hbm>> -> memref<128x128xf32, #tpu.memory_space<hbm>>
        %dma_start3A_120 = arith.constant 0 : i32
        %dma_start3A_121 = tpu.memref_slice %arg4[%mul3A_59, %mul3A_2, %dma_start3A_120] : memref<50x4096x128xf32, #tpu.memory_space<hbm>> -> memref<1x128x128xf32, #tpu.memory_space<hbm>>
        %dma_start3A_122 = tpu.memref_squeeze %dma_start3A_121 : memref<1x128x128xf32, #tpu.memory_space<hbm>> -> memref<128x128xf32, #tpu.memory_space<hbm>>
        %dma_start3A_123 = arith.constant 0 : i32
        %dma_start3A_124 = arith.constant 0 : i32
        %dma_start3A_125 = tpu.memref_slice %arg6[%run_scoped3A_84, %dma_start3A_123, %dma_start3A_124] : memref<2x128x128xf32, #tpu.memory_space<vmem>> -> memref<1x128x128xf32, #tpu.memory_space<vmem>>
        %dma_start3A_126 = tpu.memref_squeeze %dma_start3A_125 : memref<1x128x128xf32, #tpu.memory_space<vmem>> -> memref<128x128xf32, #tpu.memory_space<vmem>>
        tpu.enqueue_dma source(%dma_start3A_126 : memref<128x128xf32, #tpu.memory_space<vmem>>) target(%dma_start3A_122 : memref<128x128xf32, #tpu.memory_space<hbm>>) target_semaphore(%run_scoped3A_112 : memref<!tpu.dma_semaphore, #tpu.memory_space<semaphore_mem>>)
        %dma_wait3A_127 = arith.constant 0 : i32
        %dma_wait3A_128 = arith.constant 0 : i32
        %dma_wait3A_129 = tpu.memref_slice %arg6[%run_scoped3A_84, %dma_wait3A_127, %dma_wait3A_128] : memref<2x128x128xf32, #tpu.memory_space<vmem>> -> memref<1x128x128xf32, #tpu.memory_space<vmem>>
        %dma_wait3A_130 = tpu.memref_squeeze %dma_wait3A_129 : memref<1x128x128xf32, #tpu.memory_space<vmem>> -> memref<128x128xf32, #tpu.memory_space<vmem>>
        %dma_wait3A_131 = arith.constant 0 : i32
        %dma_wait3A_132 = tpu.memref_slice %arg4[%mul3A_59, %mul3A_2, %dma_wait3A_131] : memref<50x4096x128xf32, #tpu.memory_space<hbm>> -> memref<1x128x128xf32, #tpu.memory_space<hbm>>
        %dma_wait3A_133 = tpu.memref_squeeze %dma_wait3A_132 : memref<1x128x128xf32, #tpu.memory_space<hbm>> -> memref<128x128xf32, #tpu.memory_space<hbm>>
        %dma_wait3A_134 = arith.constant 0 : i32
        %dma_wait3A_135 = tpu.memref_slice %arg4[%mul3A_59, %mul3A_2, %dma_wait3A_134] : memref<50x4096x128xf32, #tpu.memory_space<hbm>> -> memref<1x128x128xf32, #tpu.memory_space<hbm>>
        %dma_wait3A_136 = tpu.memref_squeeze %dma_wait3A_135 : memref<1x128x128xf32, #tpu.memory_space<hbm>> -> memref<128x128xf32, #tpu.memory_space<hbm>>
        %dma_wait3A_137 = arith.constant 0 : i32
        %dma_wait3A_138 = arith.constant 0 : i32
        %dma_wait3A_139 = tpu.memref_slice %arg6[%run_scoped3A_84, %dma_wait3A_137, %dma_wait3A_138] : memref<2x128x128xf32, #tpu.memory_space<vmem>> -> memref<1x128x128xf32, #tpu.memory_space<vmem>>
        %dma_wait3A_140 = tpu.memref_squeeze %dma_wait3A_139 : memref<1x128x128xf32, #tpu.memory_space<vmem>> -> memref<128x128xf32, #tpu.memory_space<vmem>>
        tpu.wait_dma2 semaphore(%run_scoped3A_112 : memref<!tpu.dma_semaphore, #tpu.memory_space<semaphore_mem>>) src(%dma_wait3A_140 : memref<128x128xf32, #tpu.memory_space<vmem>>) dst(%dma_wait3A_136 : memref<128x128xf32, #tpu.memory_space<hbm>>)
        tpu.yield
      }) : () -> ()
      %add3A_85 = arith.constant 2 : i32
      %add3A_86 = arith.addi %mul3A_59, %add3A_85 : i32
      %dma_start3A_87 = arith.constant 0 : i32
      %dma_start3A_88 = arith.constant 0 : i32
      %dma_start3A_89 = arith.constant 0 : i32
      %dma_start3A_90 = tpu.memref_slice %arg6[%dma_start3A_87, %dma_start3A_88, %dma_start3A_89] : memref<2x128x128xf32, #tpu.memory_space<vmem>> -> memref<1x128x128xf32, #tpu.memory_space<vmem>>
      %dma_start3A_91 = tpu.memref_squeeze %dma_start3A_90 : memref<1x128x128xf32, #tpu.memory_space<vmem>> -> memref<128x128xf32, #tpu.memory_space<vmem>>
      %dma_start3A_92 = arith.constant 0 : i32
      %dma_start3A_93 = tpu.memref_slice %arg5[%add3A_86, %dma_start3A_92] : memref<50x128xi32, #tpu.memory_space<vmem>> -> memref<1x128xi32, #tpu.memory_space<vmem>>
      %dma_start3A_94 = tpu.memref_squeeze %dma_start3A_93 : memref<1x128xi32, #tpu.memory_space<vmem>> -> memref<128xi32, #tpu.memory_space<vmem>>
      %dma_start3A_95 = arith.constant 0 : i32
      %dma_start3A_96 = arith.constant 0 : i32
      %dma_start3A_97 = tpu.memref_slice %arg2[%dma_start3A_95, %dma_start3A_96] : memref<1000000x128xf32, #tpu.memory_space<hbm>> -> memref<1000000x128xf32, #tpu.memory_space<hbm>>
      tpu.enqueue_indirect_dma source(%dma_start3A_97 : memref<1000000x128xf32, #tpu.memory_space<hbm>>) target(%dma_start3A_91 : memref<128x128xf32, #tpu.memory_space<vmem>>) offsets(%dma_start3A_94 : memref<128xi32, #tpu.memory_space<vmem>>) semaphore(%arg7 : memref<!tpu.dma_semaphore, #tpu.memory_space<semaphore_mem>>)
      %add3A_98 = arith.constant 1 : i32
      %add3A_99 = arith.addi %mul3A_59, %add3A_98 : i32
      %dma_wait3A_100 = arith.constant 1 : i32
      %dma_wait3A_101 = arith.constant 0 : i32
      %dma_wait3A_102 = arith.constant 0 : i32
      %dma_wait3A_103 = tpu.memref_slice %arg6[%dma_wait3A_100, %dma_wait3A_101, %dma_wait3A_102] : memref<2x128x128xf32, #tpu.memory_space<vmem>> -> memref<1x128x128xf32, #tpu.memory_space<vmem>>
      %dma_wait3A_104 = tpu.memref_squeeze %dma_wait3A_103 : memref<1x128x128xf32, #tpu.memory_space<vmem>> -> memref<128x128xf32, #tpu.memory_space<vmem>>
      %dma_wait3A_105 = arith.constant 0 : i32
      %dma_wait3A_106 = tpu.memref_slice %arg5[%add3A_99, %dma_wait3A_105] : memref<50x128xi32, #tpu.memory_space<vmem>> -> memref<1x128xi32, #tpu.memory_space<vmem>>
      %dma_wait3A_107 = tpu.memref_squeeze %dma_wait3A_106 : memref<1x128xi32, #tpu.memory_space<vmem>> -> memref<128xi32, #tpu.memory_space<vmem>>
      %dma_wait3A_108 = arith.constant 0 : i32
      %dma_wait3A_109 = arith.constant 0 : i32
      %dma_wait3A_110 = tpu.memref_slice %arg2[%dma_wait3A_108, %dma_wait3A_109] : memref<1000000x128xf32, #tpu.memory_space<hbm>> -> memref<1000000x128xf32, #tpu.memory_space<hbm>>
      tpu.wait_indirect_dma semaphore(%arg8 : memref<!tpu.dma_semaphore, #tpu.memory_space<semaphore_mem>>) src(%dma_wait3A_110 : memref<1000000x128xf32, #tpu.memory_space<hbm>>) dst(%dma_wait3A_104 : memref<128x128xf32, #tpu.memory_space<vmem>>)
      %run_scoped3A_111 = arith.constant 1 : i32
      "tpu.region"() ({
        %run_scoped3A_112 = tpu.sem_alloc : memref<!tpu.dma_semaphore, #tpu.memory_space<semaphore_mem>>
        %dma_start3A_113 = arith.constant 0 : i32
        %dma_start3A_114 = arith.constant 0 : i32
        %dma_start3A_115 = tpu.memref_slice %arg6[%run_scoped3A_111, %dma_start3A_113, %dma_start3A_114] : memref<2x128x128xf32, #tpu.memory_space<vmem>> -> memref<1x128x128xf32, #tpu.memory_space<vmem>>
        %dma_start3A_116 = tpu.memref_squeeze %dma_start3A_115 : memref<1x128x128xf32, #tpu.memory_space<vmem>> -> memref<128x128xf32, #tpu.memory_space<vmem>>
        %dma_start3A_117 = arith.constant 0 : i32
        %dma_start3A_118 = tpu.memref_slice %arg4[%add3A_99, %mul3A_2, %dma_start3A_117] : memref<50x4096x128xf32, #tpu.memory_space<hbm>> -> memref<1x128x128xf32, #tpu.memory_space<hbm>>
        %dma_start3A_119 = tpu.memref_squeeze %dma_start3A_118 : memref<1x128x128xf32, #tpu.memory_space<hbm>> -> memref<128x128xf32, #tpu.memory_space<hbm>>
        %dma_start3A_120 = arith.constant 0 : i32
        %dma_start3A_121 = tpu.memref_slice %arg4[%add3A_99, %mul3A_2, %dma_start3A_120] : memref<50x4096x128xf32, #tpu.memory_space<hbm>> -> memref<1x128x128xf32, #tpu.memory_space<hbm>>
        %dma_start3A_122 = tpu.memref_squeeze %dma_start3A_121 : memref<1x128x128xf32, #tpu.memory_space<hbm>> -> memref<128x128xf32, #tpu.memory_space<hbm>>
        %dma_start3A_123 = arith.constant 0 : i32
        %dma_start3A_124 = arith.constant 0 : i32
        %dma_start3A_125 = tpu.memref_slice %arg6[%run_scoped3A_111, %dma_start3A_123, %dma_start3A_124] : memref<2x128x128xf32, #tpu.memory_space<vmem>> -> memref<1x128x128xf32, #tpu.memory_space<vmem>>
        %dma_start3A_126 = tpu.memref_squeeze %dma_start3A_125 : memref<1x128x128xf32, #tpu.memory_space<vmem>> -> memref<128x128xf32, #tpu.memory_space<vmem>>
        tpu.enqueue_dma source(%dma_start3A_126 : memref<128x128xf32, #tpu.memory_space<vmem>>) target(%dma_start3A_122 : memref<128x128xf32, #tpu.memory_space<hbm>>) target_semaphore(%run_scoped3A_112 : memref<!tpu.dma_semaphore, #tpu.memory_space<semaphore_mem>>)
        %dma_wait3A_127 = arith.constant 0 : i32
        %dma_wait3A_128 = arith.constant 0 : i32
        %dma_wait3A_129 = tpu.memref_slice %arg6[%run_scoped3A_111, %dma_wait3A_127, %dma_wait3A_128] : memref<2x128x128xf32, #tpu.memory_space<vmem>> -> memref<1x128x128xf32, #tpu.memory_space<vmem>>
        %dma_wait3A_130 = tpu.memref_squeeze %dma_wait3A_129 : memref<1x128x128xf32, #tpu.memory_space<vmem>> -> memref<128x128xf32, #tpu.memory_space<vmem>>
        %dma_wait3A_131 = arith.constant 0 : i32
        %dma_wait3A_132 = tpu.memref_slice %arg4[%add3A_99, %mul3A_2, %dma_wait3A_131] : memref<50x4096x128xf32, #tpu.memory_space<hbm>> -> memref<1x128x128xf32, #tpu.memory_space<hbm>>
        %dma_wait3A_133 = tpu.memref_squeeze %dma_wait3A_132 : memref<1x128x128xf32, #tpu.memory_space<hbm>> -> memref<128x128xf32, #tpu.memory_space<hbm>>
        %dma_wait3A_134 = arith.constant 0 : i32
        %dma_wait3A_135 = tpu.memref_slice %arg4[%add3A_99, %mul3A_2, %dma_wait3A_134] : memref<50x4096x128xf32, #tpu.memory_space<hbm>> -> memref<1x128x128xf32, #tpu.memory_space<hbm>>
        %dma_wait3A_136 = tpu.memref_squeeze %dma_wait3A_135 : memref<1x128x128xf32, #tpu.memory_space<hbm>> -> memref<128x128xf32, #tpu.memory_space<hbm>>
        %dma_wait3A_137 = arith.constant 0 : i32
        %dma_wait3A_138 = arith.constant 0 : i32
        %dma_wait3A_139 = tpu.memref_slice %arg6[%run_scoped3A_111, %dma_wait3A_137, %dma_wait3A_138] : memref<2x128x128xf32, #tpu.memory_space<vmem>> -> memref<1x128x128xf32, #tpu.memory_space<vmem>>
        %dma_wait3A_140 = tpu.memref_squeeze %dma_wait3A_139 : memref<1x128x128xf32, #tpu.memory_space<vmem>> -> memref<128x128xf32, #tpu.memory_space<vmem>>
        tpu.wait_dma2 semaphore(%run_scoped3A_112 : memref<!tpu.dma_semaphore, #tpu.memory_space<semaphore_mem>>) src(%dma_wait3A_140 : memref<128x128xf32, #tpu.memory_space<vmem>>) dst(%dma_wait3A_136 : memref<128x128xf32, #tpu.memory_space<hbm>>)
        tpu.yield
      }) : () -> ()
    }
    %scan3A_18 = arith.constant 24 : i32
    %dma_start3A_19 = arith.constant 49 : i32
    %dma_start3A_20 = arith.constant 1 : i32
    %dma_start3A_21 = arith.constant 0 : i32
    %dma_start3A_22 = arith.constant 0 : i32
    %dma_start3A_23 = tpu.memref_slice %arg6[%dma_start3A_20, %dma_start3A_21, %dma_start3A_22] : memref<2x128x128xf32, #tpu.memory_space<vmem>> -> memref<1x128x128xf32, #tpu.memory_space<vmem>>
    %dma_start3A_24 = tpu.memref_squeeze %dma_start3A_23 : memref<1x128x128xf32, #tpu.memory_space<vmem>> -> memref<128x128xf32, #tpu.memory_space<vmem>>
    %dma_start3A_25 = arith.constant 0 : i32
    %dma_start3A_26 = tpu.memref_slice %arg5[%dma_start3A_19, %dma_start3A_25] : memref<50x128xi32, #tpu.memory_space<vmem>> -> memref<1x128xi32, #tpu.memory_space<vmem>>
    %dma_start3A_27 = tpu.memref_squeeze %dma_start3A_26 : memref<1x128xi32, #tpu.memory_space<vmem>> -> memref<128xi32, #tpu.memory_space<vmem>>
    %dma_start3A_28 = arith.constant 0 : i32
    %dma_start3A_29 = arith.constant 0 : i32
    %dma_start3A_30 = tpu.memref_slice %arg2[%dma_start3A_28, %dma_start3A_29] : memref<1000000x128xf32, #tpu.memory_space<hbm>> -> memref<1000000x128xf32, #tpu.memory_space<hbm>>
    tpu.enqueue_indirect_dma source(%dma_start3A_30 : memref<1000000x128xf32, #tpu.memory_space<hbm>>) target(%dma_start3A_24 : memref<128x128xf32, #tpu.memory_space<vmem>>) offsets(%dma_start3A_27 : memref<128xi32, #tpu.memory_space<vmem>>) semaphore(%arg8 : memref<!tpu.dma_semaphore, #tpu.memory_space<semaphore_mem>>)
    %dma_wait3A = arith.constant 48 : i32
    %dma_wait3A_31 = arith.constant 0 : i32
    %dma_wait3A_32 = arith.constant 0 : i32
    %dma_wait3A_33 = arith.constant 0 : i32
    %dma_wait3A_34 = tpu.memref_slice %arg6[%dma_wait3A_31, %dma_wait3A_32, %dma_wait3A_33] : memref<2x128x128xf32, #tpu.memory_space<vmem>> -> memref<1x128x128xf32, #tpu.memory_space<vmem>>
    %dma_wait3A_35 = tpu.memref_squeeze %dma_wait3A_34 : memref<1x128x128xf32, #tpu.memory_space<vmem>> -> memref<128x128xf32, #tpu.memory_space<vmem>>
    %dma_wait3A_36 = arith.constant 0 : i32
    %dma_wait3A_37 = tpu.memref_slice %arg5[%dma_wait3A, %dma_wait3A_36] : memref<50x128xi32, #tpu.memory_space<vmem>> -> memref<1x128xi32, #tpu.memory_space<vmem>>
    %dma_wait3A_38 = tpu.memref_squeeze %dma_wait3A_37 : memref<1x128xi32, #tpu.memory_space<vmem>> -> memref<128xi32, #tpu.memory_space<vmem>>
    %dma_wait3A_39 = arith.constant 0 : i32
    %dma_wait3A_40 = arith.constant 0 : i32
    %dma_wait3A_41 = tpu.memref_slice %arg2[%dma_wait3A_39, %dma_wait3A_40] : memref<1000000x128xf32, #tpu.memory_space<hbm>> -> memref<1000000x128xf32, #tpu.memory_space<hbm>>
    tpu.wait_indirect_dma semaphore(%arg7 : memref<!tpu.dma_semaphore, #tpu.memory_space<semaphore_mem>>) src(%dma_wait3A_41 : memref<1000000x128xf32, #tpu.memory_space<hbm>>) dst(%dma_wait3A_35 : memref<128x128xf32, #tpu.memory_space<vmem>>)
    %run_scoped3A = arith.constant 0 : i32
    %run_scoped3A_42 = arith.constant 48 : i32
    "tpu.region"() ({
      %run_scoped3A_57 = tpu.sem_alloc : memref<!tpu.dma_semaphore, #tpu.memory_space<semaphore_mem>>
      %dma_start3A_58 = arith.constant 0 : i32
      %dma_start3A_59 = arith.constant 0 : i32
      %dma_start3A_60 = tpu.memref_slice %arg6[%run_scoped3A, %dma_start3A_58, %dma_start3A_59] : memref<2x128x128xf32, #tpu.memory_space<vmem>> -> memref<1x128x128xf32, #tpu.memory_space<vmem>>
      %dma_start3A_61 = tpu.memref_squeeze %dma_start3A_60 : memref<1x128x128xf32, #tpu.memory_space<vmem>> -> memref<128x128xf32, #tpu.memory_space<vmem>>
      %dma_start3A_62 = arith.constant 0 : i32
      %dma_start3A_63 = tpu.memref_slice %arg4[%run_scoped3A_42, %mul3A_2, %dma_start3A_62] : memref<50x4096x128xf32, #tpu.memory_space<hbm>> -> memref<1x128x128xf32, #tpu.memory_space<hbm>>
      %dma_start3A_64 = tpu.memref_squeeze %dma_start3A_63 : memref<1x128x128xf32, #tpu.memory_space<hbm>> -> memref<128x128xf32, #tpu.memory_space<hbm>>
      %dma_start3A_65 = arith.constant 0 : i32
      %dma_start3A_66 = tpu.memref_slice %arg4[%run_scoped3A_42, %mul3A_2, %dma_start3A_65] : memref<50x4096x128xf32, #tpu.memory_space<hbm>> -> memref<1x128x128xf32, #tpu.memory_space<hbm>>
      %dma_start3A_67 = tpu.memref_squeeze %dma_start3A_66 : memref<1x128x128xf32, #tpu.memory_space<hbm>> -> memref<128x128xf32, #tpu.memory_space<hbm>>
      %dma_start3A_68 = arith.constant 0 : i32
      %dma_start3A_69 = arith.constant 0 : i32
      %dma_start3A_70 = tpu.memref_slice %arg6[%run_scoped3A, %dma_start3A_68, %dma_start3A_69] : memref<2x128x128xf32, #tpu.memory_space<vmem>> -> memref<1x128x128xf32, #tpu.memory_space<vmem>>
      %dma_start3A_71 = tpu.memref_squeeze %dma_start3A_70 : memref<1x128x128xf32, #tpu.memory_space<vmem>> -> memref<128x128xf32, #tpu.memory_space<vmem>>
      tpu.enqueue_dma source(%dma_start3A_71 : memref<128x128xf32, #tpu.memory_space<vmem>>) target(%dma_start3A_67 : memref<128x128xf32, #tpu.memory_space<hbm>>) target_semaphore(%run_scoped3A_57 : memref<!tpu.dma_semaphore, #tpu.memory_space<semaphore_mem>>)
      %dma_wait3A_72 = arith.constant 0 : i32
      %dma_wait3A_73 = arith.constant 0 : i32
      %dma_wait3A_74 = tpu.memref_slice %arg6[%run_scoped3A, %dma_wait3A_72, %dma_wait3A_73] : memref<2x128x128xf32, #tpu.memory_space<vmem>> -> memref<1x128x128xf32, #tpu.memory_space<vmem>>
      %dma_wait3A_75 = tpu.memref_squeeze %dma_wait3A_74 : memref<1x128x128xf32, #tpu.memory_space<vmem>> -> memref<128x128xf32, #tpu.memory_space<vmem>>
      %dma_wait3A_76 = arith.constant 0 : i32
      %dma_wait3A_77 = tpu.memref_slice %arg4[%run_scoped3A_42, %mul3A_2, %dma_wait3A_76] : memref<50x4096x128xf32, #tpu.memory_space<hbm>> -> memref<1x128x128xf32, #tpu.memory_space<hbm>>
      %dma_wait3A_78 = tpu.memref_squeeze %dma_wait3A_77 : memref<1x128x128xf32, #tpu.memory_space<hbm>> -> memref<128x128xf32, #tpu.memory_space<hbm>>
      %dma_wait3A_79 = arith.constant 0 : i32
      %dma_wait3A_80 = tpu.memref_slice %arg4[%run_scoped3A_42, %mul3A_2, %dma_wait3A_79] : memref<50x4096x128xf32, #tpu.memory_space<hbm>> -> memref<1x128x128xf32, #tpu.memory_space<hbm>>
      %dma_wait3A_81 = tpu.memref_squeeze %dma_wait3A_80 : memref<1x128x128xf32, #tpu.memory_space<hbm>> -> memref<128x128xf32, #tpu.memory_space<hbm>>
      %dma_wait3A_82 = arith.constant 0 : i32
      %dma_wait3A_83 = arith.constant 0 : i32
      %dma_wait3A_84 = tpu.memref_slice %arg6[%run_scoped3A, %dma_wait3A_82, %dma_wait3A_83] : memref<2x128x128xf32, #tpu.memory_space<vmem>> -> memref<1x128x128xf32, #tpu.memory_space<vmem>>
      %dma_wait3A_85 = tpu.memref_squeeze %dma_wait3A_84 : memref<1x128x128xf32, #tpu.memory_space<vmem>> -> memref<128x128xf32, #tpu.memory_space<vmem>>
      tpu.wait_dma2 semaphore(%run_scoped3A_57 : memref<!tpu.dma_semaphore, #tpu.memory_space<semaphore_mem>>) src(%dma_wait3A_85 : memref<128x128xf32, #tpu.memory_space<vmem>>) dst(%dma_wait3A_81 : memref<128x128xf32, #tpu.memory_space<hbm>>)
      tpu.yield
    }) : () -> ()
    %dma_wait3A_43 = arith.constant 49 : i32
    %dma_wait3A_44 = arith.constant 1 : i32
    %dma_wait3A_45 = arith.constant 0 : i32
    %dma_wait3A_46 = arith.constant 0 : i32
    %dma_wait3A_47 = tpu.memref_slice %arg6[%dma_wait3A_44, %dma_wait3A_45, %dma_wait3A_46] : memref<2x128x128xf32, #tpu.memory_space<vmem>> -> memref<1x128x128xf32, #tpu.memory_space<vmem>>
    %dma_wait3A_48 = tpu.memref_squeeze %dma_wait3A_47 : memref<1x128x128xf32, #tpu.memory_space<vmem>> -> memref<128x128xf32, #tpu.memory_space<vmem>>
    %dma_wait3A_49 = arith.constant 0 : i32
    %dma_wait3A_50 = tpu.memref_slice %arg5[%dma_wait3A_43, %dma_wait3A_49] : memref<50x128xi32, #tpu.memory_space<vmem>> -> memref<1x128xi32, #tpu.memory_space<vmem>>
    %dma_wait3A_51 = tpu.memref_squeeze %dma_wait3A_50 : memref<1x128xi32, #tpu.memory_space<vmem>> -> memref<128xi32, #tpu.memory_space<vmem>>
    %dma_wait3A_52 = arith.constant 0 : i32
    %dma_wait3A_53 = arith.constant 0 : i32
    %dma_wait3A_54 = tpu.memref_slice %arg2[%dma_wait3A_52, %dma_wait3A_53] : memref<1000000x128xf32, #tpu.memory_space<hbm>> -> memref<1000000x128xf32, #tpu.memory_space<hbm>>
    tpu.wait_indirect_dma semaphore(%arg8 : memref<!tpu.dma_semaphore, #tpu.memory_space<semaphore_mem>>) src(%dma_wait3A_54 : memref<1000000x128xf32, #tpu.memory_space<hbm>>) dst(%dma_wait3A_48 : memref<128x128xf32, #tpu.memory_space<vmem>>)
    %run_scoped3A_55 = arith.constant 1 : i32
    %run_scoped3A_56 = arith.constant 49 : i32
    "tpu.region"() ({
      %run_scoped3A_57 = tpu.sem_alloc : memref<!tpu.dma_semaphore, #tpu.memory_space<semaphore_mem>>
      %dma_start3A_58 = arith.constant 0 : i32
      %dma_start3A_59 = arith.constant 0 : i32
      %dma_start3A_60 = tpu.memref_slice %arg6[%run_scoped3A_55, %dma_start3A_58, %dma_start3A_59] : memref<2x128x128xf32, #tpu.memory_space<vmem>> -> memref<1x128x128xf32, #tpu.memory_space<vmem>>
      %dma_start3A_61 = tpu.memref_squeeze %dma_start3A_60 : memref<1x128x128xf32, #tpu.memory_space<vmem>> -> memref<128x128xf32, #tpu.memory_space<vmem>>
      %dma_start3A_62 = arith.constant 0 : i32
      %dma_start3A_63 = tpu.memref_slice %arg4[%run_scoped3A_56, %mul3A_2, %dma_start3A_62] : memref<50x4096x128xf32, #tpu.memory_space<hbm>> -> memref<1x128x128xf32, #tpu.memory_space<hbm>>
      %dma_start3A_64 = tpu.memref_squeeze %dma_start3A_63 : memref<1x128x128xf32, #tpu.memory_space<hbm>> -> memref<128x128xf32, #tpu.memory_space<hbm>>
      %dma_start3A_65 = arith.constant 0 : i32
      %dma_start3A_66 = tpu.memref_slice %arg4[%run_scoped3A_56, %mul3A_2, %dma_start3A_65] : memref<50x4096x128xf32, #tpu.memory_space<hbm>> -> memref<1x128x128xf32, #tpu.memory_space<hbm>>
      %dma_start3A_67 = tpu.memref_squeeze %dma_start3A_66 : memref<1x128x128xf32, #tpu.memory_space<hbm>> -> memref<128x128xf32, #tpu.memory_space<hbm>>
      %dma_start3A_68 = arith.constant 0 : i32
      %dma_start3A_69 = arith.constant 0 : i32
      %dma_start3A_70 = tpu.memref_slice %arg6[%run_scoped3A_55, %dma_start3A_68, %dma_start3A_69] : memref<2x128x128xf32, #tpu.memory_space<vmem>> -> memref<1x128x128xf32, #tpu.memory_space<vmem>>
      %dma_start3A_71 = tpu.memref_squeeze %dma_start3A_70 : memref<1x128x128xf32, #tpu.memory_space<vmem>> -> memref<128x128xf32, #tpu.memory_space<vmem>>
      tpu.enqueue_dma source(%dma_start3A_71 : memref<128x128xf32, #tpu.memory_space<vmem>>) target(%dma_start3A_67 : memref<128x128xf32, #tpu.memory_space<hbm>>) target_semaphore(%run_scoped3A_57 : memref<!tpu.dma_semaphore, #tpu.memory_space<semaphore_mem>>)
      %dma_wait3A_72 = arith.constant 0 : i32
      %dma_wait3A_73 = arith.constant 0 : i32
      %dma_wait3A_74 = tpu.memref_slice %arg6[%run_scoped3A_55, %dma_wait3A_72, %dma_wait3A_73] : memref<2x128x128xf32, #tpu.memory_space<vmem>> -> memref<1x128x128xf32, #tpu.memory_space<vmem>>
      %dma_wait3A_75 = tpu.memref_squeeze %dma_wait3A_74 : memref<1x128x128xf32, #tpu.memory_space<vmem>> -> memref<128x128xf32, #tpu.memory_space<vmem>>
      %dma_wait3A_76 = arith.constant 0 : i32
      %dma_wait3A_77 = tpu.memref_slice %arg4[%run_scoped3A_56, %mul3A_2, %dma_wait3A_76] : memref<50x4096x128xf32, #tpu.memory_space<hbm>> -> memref<1x128x128xf32, #tpu.memory_space<hbm>>
      %dma_wait3A_78 = tpu.memref_squeeze %dma_wait3A_77 : memref<1x128x128xf32, #tpu.memory_space<hbm>> -> memref<128x128xf32, #tpu.memory_space<hbm>>
      %dma_wait3A_79 = arith.constant 0 : i32
      %dma_wait3A_80 = tpu.memref_slice %arg4[%run_scoped3A_56, %mul3A_2, %dma_wait3A_79] : memref<50x4096x128xf32, #tpu.memory_space<hbm>> -> memref<1x128x128xf32, #tpu.memory_space<hbm>>
      %dma_wait3A_81 = tpu.memref_squeeze %dma_wait3A_80 : memref<1x128x128xf32, #tpu.memory_space<hbm>> -> memref<128x128xf32, #tpu.memory_space<hbm>>
      %dma_wait3A_82 = arith.constant 0 : i32
      %dma_wait3A_83 = arith.constant 0 : i32
      %dma_wait3A_84 = tpu.memref_slice %arg6[%run_scoped3A_55, %dma_wait3A_82, %dma_wait3A_83] : memref<2x128x128xf32, #tpu.memory_space<vmem>> -> memref<1x128x128xf32, #tpu.memory_space<vmem>>
      %dma_wait3A_85 = tpu.memref_squeeze %dma_wait3A_84 : memref<1x128x128xf32, #tpu.memory_space<vmem>> -> memref<128x128xf32, #tpu.memory_space<vmem>>
      tpu.wait_dma2 semaphore(%run_scoped3A_57 : memref<!tpu.dma_semaphore, #tpu.memory_space<semaphore_mem>>) src(%dma_wait3A_85 : memref<128x128xf32, #tpu.memory_space<vmem>>) dst(%dma_wait3A_81 : memref<128x128xf32, #tpu.memory_space<hbm>>)
      tpu.yield
    }) : () -> ()
    return
  }
}

module attributes {stable_mosaic.version = 14 : i64} {
  func.func @_lstm_body(%arg0: i32, %arg1: i32, %arg2: memref<1x4096x128xf32, #tpu.memory_space<vmem>>, %arg3: memref<64x512xf32, #tpu.memory_space<vmem>>, %arg4: memref<128x512xf32, #tpu.memory_space<vmem>>, %arg5: memref<1x512xf32, #tpu.memory_space<vmem>>, %arg6: memref<128x6xf32, #tpu.memory_space<vmem>>, %arg7: memref<1x6xf32, #tpu.memory_space<vmem>>, %arg8: memref<4096x6xf32, #tpu.memory_space<vmem>>, %arg9: memref<4096x128xf32, #tpu.memory_space<vmem>>, %arg10: memref<4096x128xf32, #tpu.memory_space<vmem>>) attributes {dimension_semantics = [#tpu.dimension_semantics<parallel>, #tpu.dimension_semantics<arbitrary>], iteration_bounds = array<i64: 1, 50>, scalar_prefetch = 0 : i64, scratch_operands = 2 : i64, tpu.core_type = #tpu.core_type<tc>, window_params = [{transform_indices = @transform_0, window_bounds = array<i64: 1, 4096, 128>}, {pipeline_mode = #tpu.pipeline_mode<synchronous>, transform_indices = @transform_1, window_bounds = array<i64: 64, 512>}, {pipeline_mode = #tpu.pipeline_mode<synchronous>, transform_indices = @transform_2, window_bounds = array<i64: 128, 512>}, {pipeline_mode = #tpu.pipeline_mode<synchronous>, transform_indices = @transform_3, window_bounds = array<i64: 1, 512>}, {pipeline_mode = #tpu.pipeline_mode<synchronous>, transform_indices = @transform_4, window_bounds = array<i64: 128, 6>}, {pipeline_mode = #tpu.pipeline_mode<synchronous>, transform_indices = @transform_5, window_bounds = array<i64: 1, 6>}, {transform_indices = @transform_6, window_bounds = array<i64: 4096, 6>}]} {
    %eq3A = arith.constant 0 : i32
    %eq3A_0 = arith.cmpi eq, %arg1, %eq3A : i32
    %convert_element_type3A = arith.extui %eq3A_0 : i1 to i32
    %cond3A = arith.constant 0 : i32
    %cond3A_1 = arith.cmpi ne, %convert_element_type3A, %cond3A : i32
    scf.if %cond3A_1 {
      %broadcast_in_dim3A = arith.constant 0.000000e+00 : f32
      %broadcast_in_dim3A_61 = vector.broadcast %broadcast_in_dim3A : f32 to vector<4096x128xf32>
      %swap3A_62 = arith.constant 0 : index
      %swap3A_63 = arith.constant 0 : index
      %swap3A_64 = vector.load %arg9[%swap3A_62, %swap3A_63] : memref<4096x128xf32, #tpu.memory_space<vmem>>, vector<4096x128xf32>
      tpu.vector_store %arg9[%swap3A_62, %swap3A_63], %broadcast_in_dim3A_61 {strides = array<i32>} : memref<4096x128xf32, #tpu.memory_space<vmem>>, vector<4096x128xf32>,
      %broadcast_in_dim3A_65 = arith.constant 0.000000e+00 : f32
      %broadcast_in_dim3A_66 = vector.broadcast %broadcast_in_dim3A_65 : f32 to vector<4096x128xf32>
      %swap3A_67 = arith.constant 0 : index
      %swap3A_68 = arith.constant 0 : index
      %swap3A_69 = vector.load %arg10[%swap3A_67, %swap3A_68] : memref<4096x128xf32, #tpu.memory_space<vmem>>, vector<4096x128xf32>
      tpu.vector_store %arg10[%swap3A_67, %swap3A_68], %broadcast_in_dim3A_66 {strides = array<i32>} : memref<4096x128xf32, #tpu.memory_space<vmem>>, vector<4096x128xf32>,
    } else {
    }
    %get3A = arith.constant 0 : index
    %get3A_2 = arith.constant 0 : index
    %get3A_3 = arith.constant 0 : index
    %get3A_4 = vector.load %arg2[%get3A, %get3A_2, %get3A_3] : memref<1x4096x128xf32, #tpu.memory_space<vmem>>, vector<1x4096x128xf32>
    %get3A_5 = vector.shape_cast %get3A_4 : vector<1x4096x128xf32> to vector<4096x128xf32>
    %slice3A = vector.extract_strided_slice %get3A_5 {offsets = [0, 0], sizes = [4096, 64], strides = [1, 1]} : vector<4096x128xf32> to vector<4096x64xf32>
    %get3A_6 = arith.constant 0 : index
    %get3A_7 = arith.constant 0 : index
    %get3A_8 = vector.load %arg9[%get3A_6, %get3A_7] : memref<4096x128xf32, #tpu.memory_space<vmem>>, vector<4096x128xf32>
    %get3A_9 = arith.constant 0 : index
    %get3A_10 = arith.constant 0 : index
    %get3A_11 = vector.load %arg3[%get3A_9, %get3A_10] : memref<64x512xf32, #tpu.memory_space<vmem>>, vector<64x512xf32>
    %dot_general3A = arith.constant dense<0.000000e+00> : vector<4096x512xf32>
    %dot_general3A_12 = tpu.matmul %slice3A, %get3A_11, %dot_general3A {dimension_numbers = #tpu.dot_dimension_numbers<[1], [0], [0], [1], [0, 0, 1, 1], [], []>, transpose_lhs_hint = false} : vector<4096x64xf32>, vector<64x512xf32>, vector<4096x512xf32> -> vector<4096x512xf32>
    %get3A_13 = arith.constant 0 : index
    %get3A_14 = arith.constant 0 : index
    %get3A_15 = vector.load %arg4[%get3A_13, %get3A_14] : memref<128x512xf32, #tpu.memory_space<vmem>>, vector<128x512xf32>
    %dot_general3A_16 = arith.constant dense<0.000000e+00> : vector<4096x512xf32>
    %dot_general3A_17 = tpu.matmul %get3A_8, %get3A_15, %dot_general3A_16 {dimension_numbers = #tpu.dot_dimension_numbers<[1], [0], [0], [1], [0, 0, 1, 1], [], []>, transpose_lhs_hint = false} : vector<4096x128xf32>, vector<128x512xf32>, vector<4096x512xf32> -> vector<4096x512xf32>
    %add3A = arith.addf %dot_general3A_12, %dot_general3A_17 : vector<4096x512xf32>
    %get3A_18 = arith.constant 0 : index
    %get3A_19 = arith.constant 0 : index
    %get3A_20 = vector.load %arg5[%get3A_18, %get3A_19] : memref<1x512xf32, #tpu.memory_space<vmem>>, vector<1x512xf32>
    %add3A_21 = vector.broadcast %get3A_20 : vector<1x512xf32> to vector<4096x512xf32>
    %add3A_22 = arith.addf %add3A, %add3A_21 : vector<4096x512xf32>
    %slice3A_23 = vector.extract_strided_slice %add3A_22 {offsets = [0, 0], sizes = [4096, 128], strides = [1, 1]} : vector<4096x512xf32> to vector<4096x128xf32>
    %logistic3A = arith.negf %slice3A_23 : vector<4096x128xf32>
    %logistic3A_24 = math.exp %logistic3A : vector<4096x128xf32>
    %logistic3A_25 = arith.constant 1.000000e+00 : f32
    %logistic3A_26 = vector.broadcast %logistic3A_25 : f32 to vector<4096x128xf32>
    %logistic3A_27 = arith.addf %logistic3A_26, %logistic3A_24 : vector<4096x128xf32>
    %logistic3A_28 = arith.divf %logistic3A_26, %logistic3A_27 : vector<4096x128xf32>
    %slice3A_29 = vector.extract_strided_slice %add3A_22 {offsets = [0, 128], sizes = [4096, 128], strides = [1, 1]} : vector<4096x512xf32> to vector<4096x128xf32>
    %logistic3A_30 = arith.negf %slice3A_29 : vector<4096x128xf32>
    %logistic3A_31 = math.exp %logistic3A_30 : vector<4096x128xf32>
    %logistic3A_32 = arith.constant 1.000000e+00 : f32
    %logistic3A_33 = vector.broadcast %logistic3A_32 : f32 to vector<4096x128xf32>
    %logistic3A_34 = arith.addf %logistic3A_33, %logistic3A_31 : vector<4096x128xf32>
    %logistic3A_35 = arith.divf %logistic3A_33, %logistic3A_34 : vector<4096x128xf32>
    %slice3A_36 = vector.extract_strided_slice %add3A_22 {offsets = [0, 256], sizes = [4096, 128], strides = [1, 1]} : vector<4096x512xf32> to vector<4096x128xf32>
    %tanh3A = math.tanh %slice3A_36 : vector<4096x128xf32>
    %slice3A_37 = vector.extract_strided_slice %add3A_22 {offsets = [0, 384], sizes = [4096, 128], strides = [1, 1]} : vector<4096x512xf32> to vector<4096x128xf32>
    %logistic3A_38 = arith.negf %slice3A_37 : vector<4096x128xf32>
    %logistic3A_39 = math.exp %logistic3A_38 : vector<4096x128xf32>
    %logistic3A_40 = arith.constant 1.000000e+00 : f32
    %logistic3A_41 = vector.broadcast %logistic3A_40 : f32 to vector<4096x128xf32>
    %logistic3A_42 = arith.addf %logistic3A_41, %logistic3A_39 : vector<4096x128xf32>
    %logistic3A_43 = arith.divf %logistic3A_41, %logistic3A_42 : vector<4096x128xf32>
    %get3A_44 = arith.constant 0 : index
    %get3A_45 = arith.constant 0 : index
    %get3A_46 = vector.load %arg10[%get3A_44, %get3A_45] : memref<4096x128xf32, #tpu.memory_space<vmem>>, vector<4096x128xf32>
    %mul3A = arith.mulf %logistic3A_35, %get3A_46 : vector<4096x128xf32>
    %mul3A_47 = arith.mulf %logistic3A_28, %tanh3A : vector<4096x128xf32>
    %add3A_48 = arith.addf %mul3A, %mul3A_47 : vector<4096x128xf32>
    %tanh3A_49 = math.tanh %add3A_48 : vector<4096x128xf32>
    %mul3A_50 = arith.mulf %logistic3A_43, %tanh3A_49 : vector<4096x128xf32>
    %swap3A = arith.constant 0 : index
    %swap3A_51 = arith.constant 0 : index
    %swap3A_52 = vector.load %arg10[%swap3A, %swap3A_51] : memref<4096x128xf32, #tpu.memory_space<vmem>>, vector<4096x128xf32>
    tpu.vector_store %arg10[%swap3A, %swap3A_51], %add3A_48 {strides = array<i32>} : memref<4096x128xf32, #tpu.memory_space<vmem>>, vector<4096x128xf32>,
    %swap3A_53 = arith.constant 0 : index
    %swap3A_54 = arith.constant 0 : index
    %swap3A_55 = vector.load %arg9[%swap3A_53, %swap3A_54] : memref<4096x128xf32, #tpu.memory_space<vmem>>, vector<4096x128xf32>
    tpu.vector_store %arg9[%swap3A_53, %swap3A_54], %mul3A_50 {strides = array<i32>} : memref<4096x128xf32, #tpu.memory_space<vmem>>, vector<4096x128xf32>,
    %eq3A_56 = arith.constant 49 : i32
    %eq3A_57 = arith.cmpi eq, %arg1, %eq3A_56 : i32
    %convert_element_type3A_58 = arith.extui %eq3A_57 : i1 to i32
    %cond3A_59 = arith.constant 0 : i32
    %cond3A_60 = arith.cmpi ne, %convert_element_type3A_58, %cond3A_59 : i32
    scf.if %cond3A_60 {
      %get3A_61 = arith.constant 0 : index
      %get3A_62 = arith.constant 0 : index
      %get3A_63 = vector.load %arg6[%get3A_61, %get3A_62] : memref<128x6xf32, #tpu.memory_space<vmem>>, vector<128x6xf32>
      %dot_general3A_64 = arith.constant dense<0.000000e+00> : vector<4096x6xf32>
      %dot_general3A_65 = tpu.matmul %mul3A_50, %get3A_63, %dot_general3A_64 {dimension_numbers = #tpu.dot_dimension_numbers<[1], [0], [0], [1], [0, 0, 1, 1], [], []>, transpose_lhs_hint = false} : vector<4096x128xf32>, vector<128x6xf32>, vector<4096x6xf32> -> vector<4096x6xf32>
      %get3A_66 = arith.constant 0 : index
      %get3A_67 = arith.constant 0 : index
      %get3A_68 = vector.load %arg7[%get3A_66, %get3A_67] : memref<1x6xf32, #tpu.memory_space<vmem>>, vector<1x6xf32>
      %add3A_69 = vector.broadcast %get3A_68 : vector<1x6xf32> to vector<4096x6xf32>
      %add3A_70 = arith.addf %dot_general3A_65, %add3A_69 : vector<4096x6xf32>
      %reduce_max3A = arith.constant dense<0xFF800000> : vector<4096xf32>
      %reduce_max3A_71 = vector.multi_reduction <maximumf>, %add3A_70, %reduce_max3A [1] : vector<4096x6xf32> to vector<4096xf32>
      %broadcast_in_dim3A = vector.shape_cast %reduce_max3A_71 : vector<4096xf32> to vector<4096x1xf32>
      %sub3A = vector.broadcast %broadcast_in_dim3A : vector<4096x1xf32> to vector<4096x6xf32>
      %sub3A_72 = arith.subf %add3A_70, %sub3A : vector<4096x6xf32>
      %exp3A = math.exp %sub3A_72 : vector<4096x6xf32>
      %reduce_sum3A = arith.constant dense<0.000000e+00> : vector<4096xf32>
      %reduce_sum3A_73 = vector.multi_reduction <add>, %exp3A, %reduce_sum3A [1] : vector<4096x6xf32> to vector<4096xf32>
      %broadcast_in_dim3A_74 = vector.shape_cast %reduce_sum3A_73 : vector<4096xf32> to vector<4096x1xf32>
      %log3A = math.log %broadcast_in_dim3A_74 : vector<4096x1xf32>
      %sub3A_75 = vector.broadcast %log3A : vector<4096x1xf32> to vector<4096x6xf32>
      %sub3A_76 = arith.subf %sub3A_72, %sub3A_75 : vector<4096x6xf32>
      %swap3A_77 = arith.constant 0 : index
      %swap3A_78 = arith.constant 0 : index
      %swap3A_79 = vector.load %arg8[%swap3A_77, %swap3A_78] : memref<4096x6xf32, #tpu.memory_space<vmem>>, vector<4096x6xf32>
      tpu.vector_store %arg8[%swap3A_77, %swap3A_78], %sub3A_76 {strides = array<i32>} : memref<4096x6xf32, #tpu.memory_space<vmem>>, vector<4096x6xf32>,
    } else {
    }
    return
  }
  func.func @transform_0(%arg0: i32, %arg1: i32) -> (i32, i32, i32) {
    %c0_i32 = arith.constant 0 : i32
    %c0_i32_0 = arith.constant 0 : i32
    return %arg1, %arg0, %c0_i32 : i32, i32, i32
  }
  func.func @transform_1(%arg0: i32, %arg1: i32) -> (i32, i32) {
    %c0_i32 = arith.constant 0 : i32
    %c0_i32_0 = arith.constant 0 : i32
    %c0_i32_1 = arith.constant 0 : i32
    return %c0_i32, %c0_i32_0 : i32, i32
  }
  func.func @transform_2(%arg0: i32, %arg1: i32) -> (i32, i32) {
    %c0_i32 = arith.constant 0 : i32
    %c0_i32_0 = arith.constant 0 : i32
    %c0_i32_1 = arith.constant 0 : i32
    return %c0_i32, %c0_i32_0 : i32, i32
  }
  func.func @transform_3(%arg0: i32, %arg1: i32) -> (i32, i32) {
    %c0_i32 = arith.constant 0 : i32
    %c0_i32_0 = arith.constant 0 : i32
    %c0_i32_1 = arith.constant 0 : i32
    return %c0_i32, %c0_i32_0 : i32, i32
  }
  func.func @transform_4(%arg0: i32, %arg1: i32) -> (i32, i32) {
    %c0_i32 = arith.constant 0 : i32
    %c0_i32_0 = arith.constant 0 : i32
    %c0_i32_1 = arith.constant 0 : i32
    return %c0_i32, %c0_i32_0 : i32, i32
  }
  func.func @transform_5(%arg0: i32, %arg1: i32) -> (i32, i32) {
    %c0_i32 = arith.constant 0 : i32
    %c0_i32_0 = arith.constant 0 : i32
    %c0_i32_1 = arith.constant 0 : i32
    return %c0_i32, %c0_i32_0 : i32, i32
  }
  func.func @transform_6(%arg0: i32, %arg1: i32) -> (i32, i32) {
    %c0_i32 = arith.constant 0 : i32
    %c0_i32_0 = arith.constant 0 : i32
    return %arg0, %c0_i32 : i32, i32
  }
}

module attributes {stable_mosaic.version = 14 : i64} {
  func.func @_expand_body(%arg0: i32, %arg1: memref<64x16384xf32, #tpu.memory_space<vmem>>, %arg2: memref<16384x128xf32, #tpu.memory_space<vmem>>) attributes {dimension_semantics = [#tpu.dimension_semantics<arbitrary>], iteration_bounds = array<i64: 62>, scalar_prefetch = 0 : i64, scratch_operands = 0 : i64, tpu.core_type = #tpu.core_type<tc>, window_params = [{transform_indices = @transform_0, window_bounds = array<i64: 64, 16384>}, {transform_indices = @transform_1, window_bounds = array<i64: 16384, 128>}]} {
    %get3A = arith.constant 0 : index
    %get3A_0 = arith.constant 0 : index
    %get3A_1 = vector.load %arg1[%get3A, %get3A_0] : memref<64x16384xf32, #tpu.memory_space<vmem>>, vector<64x16384xf32>
    %transpose3A = tpu.transpose %get3A_1, [1, 0] : vector<64x16384xf32> -> vector<16384x64xf32>
    %broadcast_in_dim3A = arith.constant 0.000000e+00 : f32
    %broadcast_in_dim3A_2 = vector.broadcast %broadcast_in_dim3A : f32 to vector<16384x64xf32>
    %concatenate3A = tpu.concatenate %transpose3A, %broadcast_in_dim3A_2 in 1 : vector<16384x64xf32>, vector<16384x64xf32> -> vector<16384x128xf32>
    %swap3A = arith.constant 0 : index
    %swap3A_3 = arith.constant 0 : index
    %swap3A_4 = vector.load %arg2[%swap3A, %swap3A_3] : memref<16384x128xf32, #tpu.memory_space<vmem>>, vector<16384x128xf32>
    tpu.vector_store %arg2[%swap3A, %swap3A_3], %concatenate3A {strides = array<i32>} : memref<16384x128xf32, #tpu.memory_space<vmem>>, vector<16384x128xf32>,
    return
  }
  func.func @transform_0(%arg0: i32) -> (i32, i32) {
    %c0_i32 = arith.constant 0 : i32
    %c0_i32_0 = arith.constant 0 : i32
    return %c0_i32, %arg0 : i32, i32
  }
  func.func @transform_1(%arg0: i32) -> (i32, i32) {
    %c0_i32 = arith.constant 0 : i32
    %c0_i32_0 = arith.constant 0 : i32
    return %arg0, %c0_i32 : i32, i32
  }
}

</mosaic_0001>

<sc_bundles>
// kernel: kernel.5.cloned.1.call-start
scs
__scs_entry_jumppad:
0x0: {  	(pc) =	sbr.rel $0x88, $3  }
0x1: {  	(tag) =	ssettag $0x0;
	lr =	simm.s32 $0x1  }
0x2: {  	[smem:$0x3F99] =	sst lr;
	_ =	strace $0xD0000000  }
0x3: {  	_ = 	snop  }
0x4: {  	_ = 	snop  }
0x5: {  	_ = 	snop  }
0x6: {  	_ = 	snop  }
0x7: {  	_ = 	snop  }
__scs_overlays_trampoline_lowered:
0x8: {  	[smem:$0x3FA8] =	sst s0  }
0x9: {  	[smem:$0x3FA9] =	sst s1  }
0xa: {  	[smem:$0x3FAA] =	sst s2  }
0xb: {  	[smem:$0x3FAB] =	sst s3  }
0xc: {  	[smem:$0x3FAC] =	sst s4  }
0xd: {  	[smem:$0x3FAD] =	sst s5  }
0xe: {  	[smem:$0x3FAE] =	sst s6  }
0xf: {  	[smem:$0x3FAF] =	sst s7  }
0x10: {  	[smem:$0x3FB0] =	sst s8  }
0x11: {  	[smem:$0x3FB1] =	sst s9;
	s0 =	simm.s32 @!p0 $0x0  }
0x12: {  	s1 =	sld [smem:$0x3F97];
	s0 =	simm.s32 @p0 $0x1  }
0x13: {  	[smem:$0x3FB2] =	sst s0;
	s0 =	simm.s32 @!p1 $0x0  }
0x14: {  	s2 =	sld [smem:$0x3F96];
	s0 =	simm.s32 @p1 $0x1  }
0x15: {  	[smem:$0x3FB3] =	sst s0;
	s0 =	simm.s32 @!p2 $0x0  }
0x16: {  	s3 =	sld [smem:$0x3FDB];
	s0 =	simm.s32 @p2 $0x1  }
0x17: {  	s4 =	simm.s32 $0x1BF5;
	[smem:$0x3FB5] =	sst s0  }
0x18: {  	s0 =	sld [smem:$0x3F98];
	_ =	swait.ge [sflag:s4], $0x0  }
0x19: {  	s7 =	sld [smem:$0x3F99]  }
0x1a: {  	s8 =	sadd.s32 $0xFFFFE003, lr  }
0x1b: {  	s9 =	sadd.s32 $0xFFFFFEF7, lr;
	s5 =	simm.s32 $0xFFFFFFFF;
	p2 =	slt.u32 s8, $0xFFFFF086  }
0x1c: {  	p1 =	slt.u32 s9, $0xF7A;
	s5 =	simm.s32 @!p2 $0x0  }
0x1d: {  	s5 =	simm.s32 @p1 $0x1;
	p0 =	seq.s32 s7, s2  }
0x1e: {  	s7 =	smul.u32 @!p0 $0xF7A, s2;
	p2 =	seq.s32 @!p0 s5, $0x0  }
0x1f: {  	s9 =	smul.u32 $0xF7A, s1;
	s8 =	simm.s32 @!p0 $0x1BF5;
	p2 =	por !p2, p0  }
0x20: {  	[sflag:s8] =	ssyncset.s32 @!p0 $0xFFFFF086;
	s6 =	sadd.s32 @!p0 s3, s7;
	s7 =	simm.s32 @!p0 $0x108  }
0x21: {  	s3 =	sadd.s32 s3, s9;
	s6 =	sadd.s32 @!p0 $0x88, s6;
	s7 =	simm.s32 @p2 $0x1082  }
0x22: {  	[simem:s7], [sflag:s8] =	dma.local @!p0 [hbm:s6], $0xF7A  }
0x23: {  	s9 =	sor.u32 $0xD0000000, s2;
	s6 =	simm.s32 $0x108;
	_ =	swait.ge @!p0 [sflag:s8], $0x0  }
0x24: {  	s3 =	sadd.s32 $0x88, s3;
	s6 =	simm.s32 @!p1 $0x1082;
	[sflag:s4] =	ssyncset.s32 $0xFFFFF086  }
0x25: {  	[simem:s6], [sflag:s4] =	dma.local [hbm:s3], $0xF7A  }
0x26: {  	[smem:$0x3F99] =	sst s1;
	(tag) =	ssettag s2;
	_ =	strace s9  }
0x27: {  	s1 =	sld [smem:$0x3FA9]  }
0x28: {  	s2 =	sld [smem:$0x3FAA]  }
0x29: {  	s4 =	sld [smem:$0x3FAC]  }
0x2a: {  	p0 =	seq.s32 s5, $0x0;
	s5 =	sld [smem:$0x3FAD]  }
0x2b: {  	s6 =	sld [smem:$0x3FAE]  }
0x2c: {  	s7 =	sld [smem:$0x3FAF]  }
0x2d: {  	s3 =	simm.s32 $0x108;
	s8 =	sld [smem:$0x3FB0]  }
0x2e: {  	s3 =	simm.s32 @!p0 $0x1082;
	s9 =	sld [smem:$0x3FB1]  }
0x2f: {  	lr =	sadd.s32 s0, s3;
	s0 =	sld [smem:$0x3FA8]  }
0x30: {  	s3 =	sld [smem:$0x3FAB]  }
0x31: {  	[smem:$0x3FB4] =	sst s10  }
0x32: {  	s10 =	sld [smem:$0x3FB2];
	_ =	sdelay $0x3  }
0x33: {  	p0 =	seq.s32 s10, $0x1;
	s10 =	sld [smem:$0x3FB4];
	_ =	sdelay $0x3  }
0x34: {  	[smem:$0x3FB4] =	sst s10  }
0x35: {  	s10 =	sld [smem:$0x3FB3];
	_ =	sdelay $0x3  }
0x36: {  	p1 =	seq.s32 s10, $0x1;
	s10 =	sld [smem:$0x3FB4];
	_ =	sdelay $0x3  }
0x37: {  	[smem:$0x3FB4] =	sst s10  }
0x38: {  	s10 =	sld [smem:$0x3FB5]  }
0x39: {  	_ = 	snop;
	(pc) =	sbr.ind lr, $3  }
0x3a: {  	_ = 	snop  }
0x3b: {  	_ = 	snop  }
0x3c: {  	p2 =	seq.s32 s10, $0x1;
	s10 =	sld [smem:$0x3FB4]  }
0x3d: {  	_ =	shalt  }
0x3e: {  	_ =	shalt  }
0x3f: {  	_ =	shalt  }
0x40: {  	_ =	shalt  }
0x41: {  	_ =	shalt  }
0x42: {  	_ =	shalt  }
0x43: {  	_ =	shalt  }
0x44: {  	_ =	shalt  }
0x45: {  	_ =	shalt  }
0x46: {  	_ =	shalt  }
0x47: {  	_ =	shalt  }
0x48: {  	_ =	shalt  }
0x49: {  	_ =	shalt  }
0x4a: {  	_ =	shalt  }
0x4b: {  	_ =	shalt  }
0x4c: {  	_ =	shalt  }
0x4d: {  	_ =	shalt  }
0x4e: {  	_ =	shalt  }
0x4f: {  	_ =	shalt  }
0x50: {  	_ =	shalt  }
0x51: {  	_ =	shalt  }
0x52: {  	_ =	shalt  }
0x53: {  	_ =	shalt  }
0x54: {  	_ =	shalt  }
0x55: {  	_ =	shalt  }
0x56: {  	_ =	shalt  }
0x57: {  	_ =	shalt  }
0x58: {  	_ =	shalt  }
0x59: {  	_ =	shalt  }
0x5a: {  	_ =	shalt  }
0x5b: {  	_ =	shalt  }
0x5c: {  	_ =	shalt  }
0x5d: {  	_ =	shalt  }
0x5e: {  	_ =	shalt  }
0x5f: {  	_ =	shalt  }
0x60: {  	_ =	shalt  }
0x61: {  	_ =	shalt  }
0x62: {  	_ =	shalt  }
0x63: {  	_ =	shalt  }
0x64: {  	_ =	shalt  }
0x65: {  	_ =	shalt  }
0x66: {  	_ =	shalt  }
0x67: {  	_ =	shalt  }
0x68: {  	_ =	shalt  }
0x69: {  	_ =	shalt  }
0x6a: {  	_ =	shalt  }
0x6b: {  	_ =	shalt  }
0x6c: {  	_ =	shalt  }
0x6d: {  	_ =	shalt  }
0x6e: {  	_ =	shalt  }
0x6f: {  	_ =	shalt  }
0x70: {  	_ =	shalt  }
0x71: {  	_ =	shalt  }
0x72: {  	_ =	shalt  }
0x73: {  	_ =	shalt  }
0x74: {  	_ =	shalt  }
0x75: {  	_ =	shalt  }
0x76: {  	_ =	shalt  }
0x77: {  	_ =	shalt  }
0x78: {  	_ =	shalt  }
0x79: {  	_ =	shalt  }
0x7a: {  	_ =	shalt  }
0x7b: {  	_ =	shalt  }
0x7c: {  	_ =	shalt  }
0x7d: {  	_ =	shalt  }
0x7e: {  	_ =	shalt  }
0x7f: {  	_ =	shalt  }
0x80: {  	_ =	shalt  }
0x81: {  	_ =	shalt  }
0x82: {  	_ =	shalt  }
0x83: {  	_ =	shalt  }
0x84: {  	_ =	shalt  }
0x85: {  	_ =	shalt  }
0x86: {  	_ =	shalt  }
0x87: {  	_ =	shalt  }
.Lfunc_end0:
.L_simem_size_0:
called_computation_lowered:
.L_overlay_start_0:
0x88: {  	s2 =	sld [smem:$0x3FD9]  }
0x89: {  	s3 =	sld [smem:$0x3FFE];
	_ =	sdelay $0x1  }
0x8a: {  	s1 =	srdreg.scid  }
0x8b: {  	s0 =	sand.u32 $0x1, s1  }
0x8c: {  	s16 =	sshll.u32 s0, $0xA;
	s2 =	sadd.s32 s3, s2  }
0x8d: {  	s2 =	sadd.s32 s2, s16  }
0x8e: {  	[smem:$0x3FC0] =	sst s2  }
0x8f: {  	_ = 	snop  }
0x90: {  	(tm) =	ssettm $0x1  }
0x91: {  	s17 =	sld [smem:$0x3FFB];
	_ =	sdelay $0x3  }
0x92: {  	_ =	strace s17  }
0x93: {  	s2 =	sld [smem:$0x3FFC];
	_ =	sdelay $0x3  }
0x94: {  	_ =	strace s2  }
0x95: {  	s2 =	sld [smem:$0x3FFD];
	_ =	sdelay $0x3  }
0x96: {  	_ =	strace s2  }
0x97: {  	_ =	strace $0x8FFFFFFF  }
0x98: {  	s18 =	sld [smem:$0x3FDB];
	_ =	sdelay $0x1  }
0x99: {  	s19 =	simm.s32 $_scs_section_size  }
0x9a: {  	s4 =	simm.s32 $_size__tile_overlayer_lowered;
	s5 =	simm.s32 $_tile_overlayer_lowered  }
0x9b: {  	s22 =	simm.s32 $0x1BFF;
	s21 =	sshll.u32 s5, $0x1;
	s2 =	sadd.s32 s19, s18  }
0x9c: {  	s6 =	simm.s32 $0x0;
	s20 =	sshll.u32 s4, $0x1;
	s4 =	sadd.s32 s21, s2  }
0x9d: {  	[timem:s6], [sflag:s22] =	dma.local [hbm:s4], s20  }
0x9e: {  	_ =	swait.ge [sflag:s22], s20  }
0x9f: {  	s3 =	ssub.s32 $0x0, s20;
	[sflag:s22] =	ssyncset.done $0x0  }
0xa0: {  	[sflag:s22] =	ssyncadd.s32 s3;
	_ =	sdelay $0x1  }
0xa1: {  	s23 =	simm.s32 $0x1B8B  }
0xa2: {  	_ =	swait.ge [sflag:s23], $0x1  }
0xa3: {  	[sflag:s23] =	ssyncset.done $0x0  }
0xa4: {  	s25 =	simm.s32 $0x1B8E;
	s24 =	sld [smem:$0x3FFE];
	[sflag:s23] =	ssyncadd.s32 $0xFFFFFFFF  }
0xa5: {  	s26 =	simm.s32 $execute0_lowered;
	[smem:$0x3FD2] =	sst s25  }
0xa6: {  	s4 =	sshll.u32 s26, $0x1;
	_ =	strace $0x80000046;
	[dreg:$0x1] =	wrdreg $0xFFFFFFFF  }
0xa7: {  	s28 =	simm.s32 $_size_execute0_lowered;
	s2 =	sadd.s32 s2, s4;
	[dreg:$0x0] =	wrdreg $0x0  }
0xa8: {  	s4 =	sshll.u32 s28, $0x1;
	[dreg:$0x2] =	wrdreg s2  }
0xa9: {  	[dreg:$0x3] =	wrdreg s4  }
0xaa: {  	[dreg:$0x4] =	wrdreg $0xC0  }
0xab: {  	_ =	task [dreg:s6], $0x5FFFF  }
0xac: {  	[dreg:$0x1] =	wrdreg $0xFFFFFFFF  }
0xad: {  	[dreg:$0x0] =	wrdreg $0x60  }
0xae: {  	[dreg:$0x2] =	wrdreg s24  }
0xaf: {  	[dreg:$0x3] =	wrdreg $0x9  }
0xb0: {  	_ =	task.clear_ibuf [dreg:s6], $0x4FFFF;
	_ =	strace $0x90000046  }
0xb1: {  	s29 =	simm.s32 $0x9;
	_ =	strace $0x80000048  }
0xb2: {  	_ =	swait.ge [sflag:s29], $0x1  }
0xb3: {  	[sflag:s29] =	ssyncadd.s32 $0xFFFFFFFF  }
0xb4: {  	_ =	strace $0x90000048  }
0xb5: {  	_ =	sfence  }
0xb6: {  	s30 =	sld [smem:$0x0];
	_ =	sdelay $0x2  }
0xb7: {  	s31 =	sshll.u32 s1, $0xD;
	s1 =	sshrl.u32 s1, $0x2  }
0xb8: {  	s3 =	sand.u32 $0x4000, s31;
	s1 =	sadd.s32 s1, s30  }
0xb9: {  	s0 =	sor.u32 s3, s0;
	s1 =	sshll.u32 s1, $0x11  }
0xba: {  	s0 =	sor.u32 s1, s0  }
0xbb: {  	s0 =	sadd.s32 $0x8F2B, s0  }
0xbc: {  	[sflag:s0] =	ssyncadd.remote.s32 $0x1  }
0xbd: {  	_ =	sfence.sel $0xFFFF  }
0xbe: {  	[dreg:$0x0] =	wrdreg $0xFFFFFFFF;
	(pc) =	sbr.abs _section_cstart, $3  }
0xbf: {  	[dreg:$0x1] =	wrdreg $0xFFFFFFFF  }
0xc0: {  	_ =	task.clear_ibuf [dreg:s6], $0x2FFFF;
	_ =	strace $0x9FFFFFFF  }
0xc1: {  	(tm) =	ssettm $0x7FFFFFFF  }
tec
execute0_lowered:
.L_overlay_start_1:
0x0: {  	(tag) =	ssettag $0x1  }
0x1: {  	s4 =	rddreg [dreg:$0x0]  }
0x2: {  	s0 =	rddreg [dreg:$0x1]  }
0x3: {  	s3 =	srdreg.scid;
	s2 =	simm.s32 $0x0;
	s1 =	stileid.u32  }
0x4: {  	s12 =	simm.s32 $0x3;
	s13 =	simm.s32 $0x1900;
	s14 =	simm.s32 $0x5900  }
0x5: {  	s15 =	simm.s32 $0x1;
	s16 =	simm.s32 $0x2;
	s17 =	simm.s32 $0x1880  }
0x6: {  	s18 =	simm.s32 $0x0;
	s5 =	sand.u32 $0x1, s3;
	[smem:$0x7FF] =	sst s2  }
0x7: {  	s29 =	sshll.u32 s1, $0x8;
	s3 =	sadd.s32 $0x1200, s4;
	s9 =	sadd.s32 $0xF49A00, s4  }
0x8: {  	s10 =	sshll.u32 s1, $0xF;
	s6 =	sshll.u32 s5, $0x7;
	_ =	strace $0x80000047  }
0x9: {  	s8 =	ssub.s32 $0x2, s5;
	s5 =	sshll.u32 s5, $0xE;
	s6 =	sor.u32 s6, s29  }
0xa: {  	s30 =	sshrl.u32 s8, $0x1;
	s10 =	sor.u32 s5, s10;
	s7 =	sshrl.u32 s6, $0x3  }
0xb: {  	s6 =	sshll.u32 s6, $0x4;
	s8 =	ssub.s32 s8, s30;
	s31 =	sor.u32 $0x80000, s10  }
0xc: {  	s10 =	sshrl.u32 s10, $0x3;
	s7 =	sadd.s32 s7, s4;
	s6 =	sadd.s32 s6, s9  }
0xd: {  	s11 =	sshrl.u32 s31, $0x3;
	s4 =	sadd.s32 $0xF43600, s7;
	s5 =	sadd.s32 $0x300000, s6  }
0xe: {  	s6 =	sadd.s32 $0x310000, s6;
	s7 =	smax.u32 s8, $0x1;
	s8 =	sadd.s32 s10, s9  }
0xf: {  	s9 =	sadd.s32 s11, s9;
	s10 =	simm.s32 $0x80;
	s11 =	simm.s32 $0x1000  }
.LBB2_1:
0x10: {  	[tilespmem:s2], [sflag:$0x3] =	stream.strided.gather [hbm4b:s4+s10], $0x1900, s11, s10, $0x38;
	[tilespmem:$0x9900] =	vst v63  }
0x11: {  	_ =	swait.ge [sflag:s12], $0x1900  }
0x12: {  	[sflag:s12] =	ssyncset.done $0x0  }
0x13: {  	[sflag:s12] =	ssyncadd.s32 $0xFFFFE700  }
0x14: {  	[tilespmem:s13], [sflag:$0x1] =	stream.indirect.gather [hbm4b:s3+s10], $0x80, s2, s10, $0xb8;
	[tilespmem:$0x9900] =	vst v63  }
0x15: {  	s19 =	simm.s32 $0x80  }
0x16: {  	[tilespmem:s14], [sflag:$0x2] =	stream.indirect.gather [hbm4b:s3+s10], $0x80, s19, s10, $0xb8;
	[tilespmem:$0x9900] =	vst v63  }
0x17: {  	_ =	swait.ge [sflag:s15], $0x4000  }
0x18: {  	[sflag:s15] =	ssyncset.done $0x0  }
0x19: {  	s29 =	sadd.s32 $0x0, s8;
	[sflag:s15] =	ssyncadd.s32 $0xFFFFC000  }
0x1a: {  	[hbm4b:s29+s2] =	stream.linear.scatter [tilespmem:s13], [sflag:$0x3], $0x4000, $0x38;
	[tilespmem:$0x9900] =	vst v63  }
0x1b: {  	_ =	swait.ge [sflag:s12], $0x4000  }
0x1c: {  	[sflag:s12] =	ssyncset.done $0x0  }
0x1d: {  	s30 =	simm.s32 $0x100;
	[sflag:s12] =	ssyncadd.s32 $0xFFFFC000  }
0x1e: {  	[tilespmem:s13], [sflag:$0x1] =	stream.indirect.gather [hbm4b:s3+s10], $0x80, s30, s10, $0xb8;
	[tilespmem:$0x9900] =	vst v63  }
0x1f: {  	_ =	swait.ge [sflag:s16], $0x4000  }
0x20: {  	[sflag:s16] =	ssyncset.done $0x0  }
0x21: {  	s31 =	sadd.s32 $0x0, s9;
	[sflag:s16] =	ssyncadd.s32 $0xFFFFC000  }
0x22: {  	[hbm4b:s31+s2] =	stream.linear.scatter [tilespmem:s14], [sflag:$0x3], $0x4000, $0x38;
	[tilespmem:$0x9900] =	vst v63  }
0x23: {  	s21 =	simm.s32 $0x40000;
	_ =	swait.ge [sflag:s12], $0x4000  }
0x24: {  	s20 =	simm.s32 $0x200;
	s19 =	simm.s32 $0x20000;
	[sflag:s12] =	ssyncset.done $0x0  }
.LBB2_2:
0x25: {  	p0 =	sne.s32 s21, $0x2E0000;
	s22 =	sadd.s32 $0xFFFFFF80, s20;
	[sflag:s12] =	ssyncadd.s32 $0xFFFFC000  }
0x26: {  	[tilespmem:s14], [sflag:$0x2] =	stream.indirect.gather [hbm4b:s3+s10], $0x80, s22, s10, $0xb8;
	[tilespmem:$0x9900] =	vst v63  }
0x27: {  	s22 =	smov.u32 s21;
	s21 =	sadd.s32 $0x20000, s21;
	_ =	swait.ge [sflag:s15], $0x4000  }
0x28: {  	[sflag:s15] =	ssyncset.done $0x0  }
0x29: {  	s23 =	sadd.s32 s19, s8;
	[sflag:s15] =	ssyncadd.s32 $0xFFFFC000  }
0x2a: {  	[hbm4b:s23+s2] =	stream.linear.scatter [tilespmem:s13], [sflag:$0x3], $0x4000, $0x38;
	[tilespmem:$0x9900] =	vst v63  }
0x2b: {  	_ =	swait.ge [sflag:s12], $0x4000  }
0x2c: {  	[sflag:s12] =	ssyncset.done $0x0  }
0x2d: {  	[sflag:s12] =	ssyncadd.s32 $0xFFFFC000  }
0x2e: {  	[tilespmem:s13], [sflag:$0x1] =	stream.indirect.gather [hbm4b:s3+s10], $0x80, s20, s10, $0xb8;
	[tilespmem:$0x9900] =	vst v63  }
0x2f: {  	_ =	swait.ge [sflag:s16], $0x4000  }
.Ltmp0:
0x30: {  	[sflag:s16] =	ssyncset.done $0x0;
	(pc) =	sbr.rel @p0 .LBB2_2-.Ltmp0, $4  }
0x31: {  	s23 =	sadd.s32 s19, s9;
	s19 =	smov.u32 s22;
	[sflag:s16] =	ssyncadd.s32 $0xFFFFC000  }
0x32: {  	[hbm4b:s23+s2] =	stream.linear.scatter [tilespmem:s14], [sflag:$0x3], $0x4000, $0x38;
	[tilespmem:$0x9900] =	vst v63  }
0x33: {  	_ =	swait.ge [sflag:s12], $0x4000  }
0x34: {  	s20 =	sadd.s32 $0x100, s20;
	[sflag:s12] =	ssyncset.done $0x0  }
0x35: {  	s21 =	sadd.s32 $0xFFFFFF80, s20;
	[sflag:s12] =	ssyncadd.s32 $0xFFFFC000  }
0x36: {  	[tilespmem:s14], [sflag:$0x2] =	stream.indirect.gather [hbm4b:s3+s10], $0x80, s21, s10, $0xb8;
	[tilespmem:$0x9900] =	vst v63  }
0x37: {  	_ =	swait.ge [sflag:s15], $0x4000  }
0x38: {  	[sflag:s15] =	ssyncset.done $0x0  }
0x39: {  	s30 =	sadd.s32 s19, s8;
	[sflag:s15] =	ssyncadd.s32 $0xFFFFC000  }
0x3a: {  	[hbm4b:s30+s2] =	stream.linear.scatter [tilespmem:s13], [sflag:$0x3], $0x4000, $0x38;
	[tilespmem:$0x9900] =	vst v63  }
0x3b: {  	_ =	swait.ge [sflag:s12], $0x4000  }
0x3c: {  	[sflag:s12] =	ssyncset.done $0x0  }
0x3d: {  	[sflag:s12] =	ssyncadd.s32 $0xFFFFC000  }
0x3e: {  	[tilespmem:s13], [sflag:$0x1] =	stream.indirect.gather [hbm4b:s3+s10], $0x80, s20, s10, $0xb8;
	[tilespmem:$0x9900] =	vst v63  }
0x3f: {  	_ =	swait.ge [sflag:s16], $0x4000  }
0x40: {  	[sflag:s16] =	ssyncset.done $0x0  }
0x41: {  	s31 =	sadd.s32 s19, s9;
	[sflag:s16] =	ssyncadd.s32 $0xFFFFC000  }
0x42: {  	[hbm4b:s31+s2] =	stream.linear.scatter [tilespmem:s14], [sflag:$0x3], $0x4000, $0x38;
	[tilespmem:$0x9900] =	vst v63  }
0x43: {  	_ =	swait.ge [sflag:s12], $0x4000  }
0x44: {  	[sflag:s12] =	ssyncset.done $0x0  }
0x45: {  	[sflag:s12] =	ssyncadd.s32 $0xFFFFC000  }
0x46: {  	[tilespmem:s14], [sflag:$0x2] =	stream.indirect.gather [hbm4b:s3+s10], $0x80, s17, s10, $0xb8;
	[tilespmem:$0x9900] =	vst v63  }
0x47: {  	_ =	swait.ge [sflag:s15], $0x4000  }
0x48: {  	[sflag:s15] =	ssyncset.done $0x0  }
0x49: {  	[sflag:s15] =	ssyncadd.s32 $0xFFFFC000  }
0x4a: {  	[hbm4b:s5+s2] =	stream.linear.scatter [tilespmem:s13], [sflag:$0x3], $0x4000, $0x38;
	[tilespmem:$0x9900] =	vst v63  }
0x4b: {  	_ =	swait.ge [sflag:s12], $0x4000  }
0x4c: {  	[sflag:s12] =	ssyncset.done $0x0  }
0x4d: {  	[sflag:s12] =	ssyncadd.s32 $0xFFFFC000  }
0x4e: {  	s18 =	sadd.s32 $0x1, s18;
	_ =	swait.ge [sflag:s16], $0x4000  }
0x4f: {  	p0 =	sne.s32 s18, s7;
	[sflag:s16] =	ssyncset.done $0x0  }
.Ltmp1:
0x50: {  	[sflag:s16] =	ssyncadd.s32 $0xFFFFC000;
	(pc) =	sbr.rel @p0 .LBB2_1-.Ltmp1, $4  }
0x51: {  	[hbm4b:s6+s2] =	stream.linear.scatter [tilespmem:s14], [sflag:$0x3], $0x4000, $0x38;
	[tilespmem:$0x9900] =	vst v63  }
0x52: {  	_ =	swait.ge [sflag:s12], $0x4000  }
0x53: {  	[sflag:s12] =	ssyncset.done $0x0  }
0x54: {  	[sflag:s12] =	ssyncadd.s32 $0xFFFFC000  }
0x55: {  	_ =	sfence.sel $0x180000  }
0x56: {  	[bflag:$0x0] =	sbarrier.arrive $0xFFFF  }
0x57: {  	p0 =	sne.s32 s1, $0x0;
	_ =	strace $0x90000047  }
0x58: {  	s0 =	sadd.s32 @!p0 $0x100000, s0;
	[bflag:$0x2] =	sbarrier.arrive $0xFFFF  }
0x59: {  	[sflag:s0] =	ssyncadd.tile.s32 @!p0 $0x1;
	_ =	shalt  }
.Lfunc_end2:
_tile_overlayer_lowered:
.L_overlay_start_2:
0x5a: {  	(tag) =	ssettag $0x2  }
0x5b: {  	s0 =	rddreg [dreg:$0x0];
	s2 =	stileid.u32  }
0x5c: {  	s1 =	rddreg [dreg:$0x1];
	p0 =	sne.s32 s2, $0x0  }
0x5d: {  	s3 =	rddreg [dreg:$0x2];
	[bflag:$0x3] =	sbarrier.arrive $0xFFFF;
	s2 =	simm.s32 @!p0 $0x1C03  }
0x5e: {  	[timem:s3], [sflag:s2] =	dma.local @!p0 [hbm:s0], s1  }
0x5f: {  	s0 =	simm.s32 @!p0 $0x3  }
0x60: {  	_ =	swait.ge @!p0 [sflag:s0], s1  }
0x61: {  	s1 =	ssub.s32 @!p0 $0x0, s1;
	[sflag:s0] =	ssyncset.done @!p0 $0x0  }
0x62: {  	[sflag:s0] =	ssyncadd.s32 @!p0 s1  }
0x63: {  	[bflag:$0x3] =	sbarrier.arrive $0xFFFF  }
0x64: {  	_ =	shalt  }

</sc_bundles>
